<compile_context>
chip_gen: v7x
topology: tpu7x:2x2x1
jax: 0.10.2.dev20260603
libtpu: 0.0.44.dev20260713+nightly
codegen_flags: <defaults>
</compile_context>

<pallas_src>
import functools

import jax
import jax.numpy as jnp
from jax import lax
from jax.experimental import pallas as pl
from jax.experimental.pallas import tpu as pltpu
from jax.experimental.pallas import tpu_sc as plsc

_B, _D = 512, 64
_NC, _NS = 2, 16
_NW = _NC * _NS
_BPW = _B // _NW


def _sc_gather(ent_emb, rel_emb, ent_proj, rel_proj, h, r, t,
               he_o, re_o, te_o, ph_o, pr_o, pt_o,
               idx_v,
               he_v, re_v, te_v, ph_v, pr_v, pt_v, sem):
    wid = lax.axis_index("s") * _NC + lax.axis_index("c")
    sl = pl.ds(wid * _BPW, _BPW)
    pltpu.sync_copy(h.at[sl], idx_v.at[0])
    pltpu.sync_copy(r.at[sl], idx_v.at[1])
    pltpu.sync_copy(t.at[sl], idx_v.at[2])
    copies = (
        pltpu.async_copy(ent_emb.at[idx_v.at[0]], he_v, sem),
        pltpu.async_copy(rel_emb.at[idx_v.at[1]], re_v, sem),
        pltpu.async_copy(ent_emb.at[idx_v.at[2]], te_v, sem),
        pltpu.async_copy(ent_proj.at[idx_v.at[0]], ph_v, sem),
        pltpu.async_copy(rel_proj.at[idx_v.at[1]], pr_v, sem),
        pltpu.async_copy(ent_proj.at[idx_v.at[2]], pt_v, sem),
    )
    for c in copies:
        c.wait()
    pltpu.sync_copy(he_v, he_o.at[sl])
    pltpu.sync_copy(re_v, re_o.at[sl])
    pltpu.sync_copy(te_v, te_o.at[sl])
    pltpu.sync_copy(ph_v, ph_o.at[sl])
    pltpu.sync_copy(pr_v, pr_o.at[sl])
    pltpu.sync_copy(pt_v, pt_o.at[sl])


def _dense(he_ref, re_ref, te_ref, ph_ref, pr_ref, pt_ref, out_ref):
    he, re_, te = he_ref[...], re_ref[...], te_ref[...]
    ph, pr, pt = ph_ref[...], pr_ref[...], pt_ref[...]
    base = he + re_ - te
    dot = functools.partial(
        lax.dot_general,
        dimension_numbers=(((1,), (1,)), ((), ())),
        preferred_element_type=jnp.float32,
        precision=lax.Precision.HIGHEST,
    )
    ah, ar, at = dot(he, ph), dot(re_, pr), dot(te, pt)
    bh, br, bt = dot(base, ph), dot(base, pr), dot(base, pt)
    nb = jnp.sum(base * base, axis=1, keepdims=True)
    nph = jnp.sum(ph * ph, axis=1)[None, :]
    npr = jnp.sum(pr * pr, axis=1)[None, :]
    npt = jnp.sum(pt * pt, axis=1)[None, :]
    c_hr = jnp.sum(ph * pr, axis=1)[None, :]
    c_ht = jnp.sum(ph * pt, axis=1)[None, :]
    c_rt = jnp.sum(pr * pt, axis=1)[None, :]
    s2 = (nb
          + ah * ah * nph + ar * ar * npr + at * at * npt
          + 2.0 * (ah * bh + ar * br - at * bt)
          + 2.0 * (ah * ar * c_hr - ah * at * c_ht - ar * at * c_rt))
    out_ref[...] = jnp.sqrt(jnp.maximum(s2, 0.0))


def kernel(h, r, t, ent_emb, rel_emb, ent_proj, rel_proj, batch_type):
    del batch_type
    h = h.astype(jnp.int32)
    r = r.astype(jnp.int32)
    t = t.astype(jnp.int32)
    row = jax.ShapeDtypeStruct((_B, _D), jnp.float32)
    gather = pl.kernel(
        _sc_gather,
        out_type=[row] * 6,
        mesh=plsc.VectorSubcoreMesh(
            core_axis_name="c", subcore_axis_name="s",
            num_cores=_NC, num_subcores=_NS,
        ),
        scratch_types=(
            [pltpu.VMEM((3, _BPW), jnp.int32)]
            + [pltpu.VMEM((_BPW, _D), jnp.float32)] * 6
            + [pltpu.SemaphoreType.DMA]
        ),
        compiler_params=pltpu.CompilerParams(use_tc_tiling_on_sc=False),
    )
    he, re_, te, ph, pr, pt = gather(ent_emb, rel_emb, ent_proj, rel_proj,
                                     h, r, t)
    return pl.pallas_call(
        _dense,
        out_shape=jax.ShapeDtypeStruct((_B, _B), jnp.float32),
    )(he, re_, te, ph, pr, pt)

# --- scband reference (transcript-rebuilt; emitter-appended) ---
"""Pipeline reference for scband-ins-model-trans-d-16552803959068 (READ-ONLY COPY).

The authoritative reference and input builder live on the scoring server;
editing this copy changes nothing except your own understanding.
"""

import jax, jax.numpy as jnp
import numpy as np

NE, NR, D, B = 100000, 1000, 64, 512

def setup_inputs(seed: int = 0) -> dict:
    key = jax.random.key(seed)
    ks = jax.random.split(key, 7)
    h = jax.random.randint(ks[0], (B,), 0, NE, dtype=jnp.int64) if jax.config.jax_enable_x64 else jax.random.randint(ks[0], (B,), 0, NE)
    r = jax.random.randint(ks[1], (B,), 0, NR)
    t = jax.random.randint(ks[2], (B,), 0, NE)
    # learned parameters (xavier-uniform-like init)
    def xavier(k, shape):
        fan_in, fan_out = shape[0], shape[1]
        a = float(np.sqrt(6.0 / (fan_in + fan_out)))
        return jax.random.uniform(k, shape, jnp.float32, -a, a)
    ent_emb = xavier(ks[3], (NE, D))
    rel_emb = xavier(ks[4], (NR, D))
    ent_proj = xavier(ks[5], (NE, D))
    rel_proj = xavier(ks[6], (NR, D))
    return {"h": h, "r": r, "t": t, "ent_emb": ent_emb, "rel_emb": rel_emb,
            "ent_proj": ent_proj, "rel_proj": rel_proj, "batch_type": 0}

def _project(indices, embeddings, proj_table):
    # proj_vec: [B, D]; embeddings: [B, 1, D]
    proj_vec = jnp.take(proj_table, indices, axis=0)
    # faithful torch broadcasting: (B,D)*(B,1,D) -> (B,B,D)
    dot_product = jnp.sum(proj_vec * embeddings, axis=-1, keepdims=True)  # [B,B,1]
    projected = embeddings + dot_product * proj_vec  # [B,B,D]
    return projected

def reference(h, r, t, ent_emb, rel_emb, ent_proj, rel_proj, batch_type):
    # batch_type == SINGLE (0)
    h_e = jnp.take(ent_emb, h, axis=0)[:, None, :]
    r_e = jnp.take(rel_emb, r, axis=0)[:, None, :]
    t_e = jnp.take(ent_emb, t, axis=0)[:, None, :]
    h_p = _project(h, h_e, ent_proj)
    r_p = _project(r, r_e, rel_proj)
    t_p = _project(t, t_e, ent_proj)
    diff = h_p + r_p - t_p
    # l1 == 2 -> p=2 norm over last dim
    score = jnp.sqrt(jnp.sum(diff * diff, axis=-1))  # [B, B]
    return score

if __name__ == "__main__":
    import jax
    _d = setup_inputs()
    print(jax.jit(kernel)(*tuple(_d.values())))

</pallas_src>

<mosaic_0001>
#map = affine_map<(d0, d1) -> (0, 0)>
#map1 = affine_map<(d0, d1) -> (0)>
module attributes {stable_mosaic.version = 14 : i64} {
  func.func @_sc_gather(%arg0: i32, %arg1: i32, %arg2: memref<100000x64xf32, #tpu.memory_space<hbm>>, %arg3: memref<1000x64xf32, #tpu.memory_space<hbm>>, %arg4: memref<100000x64xf32, #tpu.memory_space<hbm>>, %arg5: memref<1000x64xf32, #tpu.memory_space<hbm>>, %arg6: memref<512xi32, #tpu.memory_space<hbm>>, %arg7: memref<512xi32, #tpu.memory_space<hbm>>, %arg8: memref<512xi32, #tpu.memory_space<hbm>>, %arg9: memref<512x64xf32, #tpu.memory_space<hbm>>, %arg10: memref<512x64xf32, #tpu.memory_space<hbm>>, %arg11: memref<512x64xf32, #tpu.memory_space<hbm>>, %arg12: memref<512x64xf32, #tpu.memory_space<hbm>>, %arg13: memref<512x64xf32, #tpu.memory_space<hbm>>, %arg14: memref<512x64xf32, #tpu.memory_space<hbm>>, %arg15: memref<3x16xi32, #tpu.memory_space<vmem>>, %arg16: memref<16x64xf32, #tpu.memory_space<vmem>>, %arg17: memref<16x64xf32, #tpu.memory_space<vmem>>, %arg18: memref<16x64xf32, #tpu.memory_space<vmem>>, %arg19: memref<16x64xf32, #tpu.memory_space<vmem>>, %arg20: memref<16x64xf32, #tpu.memory_space<vmem>>, %arg21: memref<16x64xf32, #tpu.memory_space<vmem>>, %arg22: memref<!tpu.dma_semaphore, #tpu.memory_space<semaphore_mem>>) attributes {dimension_semantics = [#tpu.dimension_semantics<core_parallel>, #tpu.dimension_semantics<subcore_parallel>], iteration_bounds = array<i64: 2, 16>, scalar_prefetch = 0 : i64, scratch_operands = 8 : i64, tpu.core_type = #tpu.core_type<sc_vector_subcore>, window_params = [{transform_indices = #map}, {transform_indices = #map}, {transform_indices = #map}, {transform_indices = #map}, {transform_indices = #map1}, {transform_indices = #map1}, {transform_indices = #map1}, {transform_indices = #map}, {transform_indices = #map}, {transform_indices = #map}, {transform_indices = #map}, {transform_indices = #map}, {transform_indices = #map}]} {
    %mul3A = arith.constant 2 : i32
    %mul3A_0 = arith.muli %arg1, %mul3A : i32
    %add3A = arith.addi %mul3A_0, %arg0 : i32
    %mul3A_1 = arith.constant 16 : i32
    %mul3A_2 = arith.muli %add3A, %mul3A_1 : i32
    %run_scoped3A = arith.constant 0 : i32
    "tpu.region"() ({
      %run_scoped3A_87 = tpu.sem_alloc : memref<!tpu.dma_semaphore, #tpu.memory_space<semaphore_mem>>
      %dma_start3A_88 = arith.constant 0 : i32
      %dma_start3A_89 = tpu.memref_slice %arg15[%run_scoped3A, %dma_start3A_88] : memref<3x16xi32, #tpu.memory_space<vmem>> -> memref<1x16xi32, #tpu.memory_space<vmem>>
      %dma_start3A_90 = tpu.memref_squeeze %dma_start3A_89 : memref<1x16xi32, #tpu.memory_space<vmem>> -> memref<16xi32, #tpu.memory_space<vmem>>
      %dma_start3A_91 = tpu.memref_slice %arg6[%mul3A_2] : memref<512xi32, #tpu.memory_space<hbm>> -> memref<16xi32, #tpu.memory_space<hbm>>
      %dma_start3A_92 = arith.constant 0 : i32
      %dma_start3A_93 = tpu.memref_slice %arg15[%run_scoped3A, %dma_start3A_92] : memref<3x16xi32, #tpu.memory_space<vmem>> -> memref<1x16xi32, #tpu.memory_space<vmem>>
      %dma_start3A_94 = tpu.memref_squeeze %dma_start3A_93 : memref<1x16xi32, #tpu.memory_space<vmem>> -> memref<16xi32, #tpu.memory_space<vmem>>
      %dma_start3A_95 = tpu.memref_slice %arg6[%mul3A_2] : memref<512xi32, #tpu.memory_space<hbm>> -> memref<16xi32, #tpu.memory_space<hbm>>
      tpu.enqueue_dma source(%dma_start3A_95 : memref<16xi32, #tpu.memory_space<hbm>>) target(%dma_start3A_94 : memref<16xi32, #tpu.memory_space<vmem>>) target_semaphore(%run_scoped3A_87 : memref<!tpu.dma_semaphore, #tpu.memory_space<semaphore_mem>>)
      %dma_wait3A_96 = arith.constant 0 : i32
      %dma_wait3A_97 = tpu.memref_slice %arg15[%run_scoped3A, %dma_wait3A_96] : memref<3x16xi32, #tpu.memory_space<vmem>> -> memref<1x16xi32, #tpu.memory_space<vmem>>
      %dma_wait3A_98 = tpu.memref_squeeze %dma_wait3A_97 : memref<1x16xi32, #tpu.memory_space<vmem>> -> memref<16xi32, #tpu.memory_space<vmem>>
      %dma_wait3A_99 = tpu.memref_slice %arg6[%mul3A_2] : memref<512xi32, #tpu.memory_space<hbm>> -> memref<16xi32, #tpu.memory_space<hbm>>
      %dma_wait3A_100 = arith.constant 0 : i32
      %dma_wait3A_101 = tpu.memref_slice %arg15[%run_scoped3A, %dma_wait3A_100] : memref<3x16xi32, #tpu.memory_space<vmem>> -> memref<1x16xi32, #tpu.memory_space<vmem>>
      %dma_wait3A_102 = tpu.memref_squeeze %dma_wait3A_101 : memref<1x16xi32, #tpu.memory_space<vmem>> -> memref<16xi32, #tpu.memory_space<vmem>>
      %dma_wait3A_103 = tpu.memref_slice %arg6[%mul3A_2] : memref<512xi32, #tpu.memory_space<hbm>> -> memref<16xi32, #tpu.memory_space<hbm>>
      tpu.wait_dma2 semaphore(%run_scoped3A_87 : memref<!tpu.dma_semaphore, #tpu.memory_space<semaphore_mem>>) src(%dma_wait3A_103 : memref<16xi32, #tpu.memory_space<hbm>>) dst(%dma_wait3A_102 : memref<16xi32, #tpu.memory_space<vmem>>)
      tpu.yield
    }) : () -> ()
    %run_scoped3A_3 = arith.constant 1 : i32
    "tpu.region"() ({
      %run_scoped3A_87 = tpu.sem_alloc : memref<!tpu.dma_semaphore, #tpu.memory_space<semaphore_mem>>
      %dma_start3A_88 = arith.constant 0 : i32
      %dma_start3A_89 = tpu.memref_slice %arg15[%run_scoped3A_3, %dma_start3A_88] : memref<3x16xi32, #tpu.memory_space<vmem>> -> memref<1x16xi32, #tpu.memory_space<vmem>>
      %dma_start3A_90 = tpu.memref_squeeze %dma_start3A_89 : memref<1x16xi32, #tpu.memory_space<vmem>> -> memref<16xi32, #tpu.memory_space<vmem>>
      %dma_start3A_91 = tpu.memref_slice %arg7[%mul3A_2] : memref<512xi32, #tpu.memory_space<hbm>> -> memref<16xi32, #tpu.memory_space<hbm>>
      %dma_start3A_92 = arith.constant 0 : i32
      %dma_start3A_93 = tpu.memref_slice %arg15[%run_scoped3A_3, %dma_start3A_92] : memref<3x16xi32, #tpu.memory_space<vmem>> -> memref<1x16xi32, #tpu.memory_space<vmem>>
      %dma_start3A_94 = tpu.memref_squeeze %dma_start3A_93 : memref<1x16xi32, #tpu.memory_space<vmem>> -> memref<16xi32, #tpu.memory_space<vmem>>
      %dma_start3A_95 = tpu.memref_slice %arg7[%mul3A_2] : memref<512xi32, #tpu.memory_space<hbm>> -> memref<16xi32, #tpu.memory_space<hbm>>
      tpu.enqueue_dma source(%dma_start3A_95 : memref<16xi32, #tpu.memory_space<hbm>>) target(%dma_start3A_94 : memref<16xi32, #tpu.memory_space<vmem>>) target_semaphore(%run_scoped3A_87 : memref<!tpu.dma_semaphore, #tpu.memory_space<semaphore_mem>>)
      %dma_wait3A_96 = arith.constant 0 : i32
      %dma_wait3A_97 = tpu.memref_slice %arg15[%run_scoped3A_3, %dma_wait3A_96] : memref<3x16xi32, #tpu.memory_space<vmem>> -> memref<1x16xi32, #tpu.memory_space<vmem>>
      %dma_wait3A_98 = tpu.memref_squeeze %dma_wait3A_97 : memref<1x16xi32, #tpu.memory_space<vmem>> -> memref<16xi32, #tpu.memory_space<vmem>>
      %dma_wait3A_99 = tpu.memref_slice %arg7[%mul3A_2] : memref<512xi32, #tpu.memory_space<hbm>> -> memref<16xi32, #tpu.memory_space<hbm>>
      %dma_wait3A_100 = arith.constant 0 : i32
      %dma_wait3A_101 = tpu.memref_slice %arg15[%run_scoped3A_3, %dma_wait3A_100] : memref<3x16xi32, #tpu.memory_space<vmem>> -> memref<1x16xi32, #tpu.memory_space<vmem>>
      %dma_wait3A_102 = tpu.memref_squeeze %dma_wait3A_101 : memref<1x16xi32, #tpu.memory_space<vmem>> -> memref<16xi32, #tpu.memory_space<vmem>>
      %dma_wait3A_103 = tpu.memref_slice %arg7[%mul3A_2] : memref<512xi32, #tpu.memory_space<hbm>> -> memref<16xi32, #tpu.memory_space<hbm>>
      tpu.wait_dma2 semaphore(%run_scoped3A_87 : memref<!tpu.dma_semaphore, #tpu.memory_space<semaphore_mem>>) src(%dma_wait3A_103 : memref<16xi32, #tpu.memory_space<hbm>>) dst(%dma_wait3A_102 : memref<16xi32, #tpu.memory_space<vmem>>)
      tpu.yield
    }) : () -> ()
    %run_scoped3A_4 = arith.constant 2 : i32
    "tpu.region"() ({
      %run_scoped3A_87 = tpu.sem_alloc : memref<!tpu.dma_semaphore, #tpu.memory_space<semaphore_mem>>
      %dma_start3A_88 = arith.constant 0 : i32
      %dma_start3A_89 = tpu.memref_slice %arg15[%run_scoped3A_4, %dma_start3A_88] : memref<3x16xi32, #tpu.memory_space<vmem>> -> memref<1x16xi32, #tpu.memory_space<vmem>>
      %dma_start3A_90 = tpu.memref_squeeze %dma_start3A_89 : memref<1x16xi32, #tpu.memory_space<vmem>> -> memref<16xi32, #tpu.memory_space<vmem>>
      %dma_start3A_91 = tpu.memref_slice %arg8[%mul3A_2] : memref<512xi32, #tpu.memory_space<hbm>> -> memref<16xi32, #tpu.memory_space<hbm>>
      %dma_start3A_92 = arith.constant 0 : i32
      %dma_start3A_93 = tpu.memref_slice %arg15[%run_scoped3A_4, %dma_start3A_92] : memref<3x16xi32, #tpu.memory_space<vmem>> -> memref<1x16xi32, #tpu.memory_space<vmem>>
      %dma_start3A_94 = tpu.memref_squeeze %dma_start3A_93 : memref<1x16xi32, #tpu.memory_space<vmem>> -> memref<16xi32, #tpu.memory_space<vmem>>
      %dma_start3A_95 = tpu.memref_slice %arg8[%mul3A_2] : memref<512xi32, #tpu.memory_space<hbm>> -> memref<16xi32, #tpu.memory_space<hbm>>
      tpu.enqueue_dma source(%dma_start3A_95 : memref<16xi32, #tpu.memory_space<hbm>>) target(%dma_start3A_94 : memref<16xi32, #tpu.memory_space<vmem>>) target_semaphore(%run_scoped3A_87 : memref<!tpu.dma_semaphore, #tpu.memory_space<semaphore_mem>>)
      %dma_wait3A_96 = arith.constant 0 : i32
      %dma_wait3A_97 = tpu.memref_slice %arg15[%run_scoped3A_4, %dma_wait3A_96] : memref<3x16xi32, #tpu.memory_space<vmem>> -> memref<1x16xi32, #tpu.memory_space<vmem>>
      %dma_wait3A_98 = tpu.memref_squeeze %dma_wait3A_97 : memref<1x16xi32, #tpu.memory_space<vmem>> -> memref<16xi32, #tpu.memory_space<vmem>>
      %dma_wait3A_99 = tpu.memref_slice %arg8[%mul3A_2] : memref<512xi32, #tpu.memory_space<hbm>> -> memref<16xi32, #tpu.memory_space<hbm>>
      %dma_wait3A_100 = arith.constant 0 : i32
      %dma_wait3A_101 = tpu.memref_slice %arg15[%run_scoped3A_4, %dma_wait3A_100] : memref<3x16xi32, #tpu.memory_space<vmem>> -> memref<1x16xi32, #tpu.memory_space<vmem>>
      %dma_wait3A_102 = tpu.memref_squeeze %dma_wait3A_101 : memref<1x16xi32, #tpu.memory_space<vmem>> -> memref<16xi32, #tpu.memory_space<vmem>>
      %dma_wait3A_103 = tpu.memref_slice %arg8[%mul3A_2] : memref<512xi32, #tpu.memory_space<hbm>> -> memref<16xi32, #tpu.memory_space<hbm>>
      tpu.wait_dma2 semaphore(%run_scoped3A_87 : memref<!tpu.dma_semaphore, #tpu.memory_space<semaphore_mem>>) src(%dma_wait3A_103 : memref<16xi32, #tpu.memory_space<hbm>>) dst(%dma_wait3A_102 : memref<16xi32, #tpu.memory_space<vmem>>)
      tpu.yield
    }) : () -> ()
    %dma_start3A = arith.constant 0 : i32
    %dma_start3A_5 = arith.constant 0 : i32
    %dma_start3A_6 = tpu.memref_slice %arg15[%dma_start3A, %dma_start3A_5] : memref<3x16xi32, #tpu.memory_space<vmem>> -> memref<1x16xi32, #tpu.memory_space<vmem>>
    %dma_start3A_7 = tpu.memref_squeeze %dma_start3A_6 : memref<1x16xi32, #tpu.memory_space<vmem>> -> memref<16xi32, #tpu.memory_space<vmem>>
    %dma_start3A_8 = arith.constant 0 : i32
    %dma_start3A_9 = arith.constant 0 : i32
    %dma_start3A_10 = tpu.memref_slice %arg2[%dma_start3A_8, %dma_start3A_9] : memref<100000x64xf32, #tpu.memory_space<hbm>> -> memref<100000x64xf32, #tpu.memory_space<hbm>>
    tpu.enqueue_indirect_dma source(%dma_start3A_10 : memref<100000x64xf32, #tpu.memory_space<hbm>>) target(%arg16 : memref<16x64xf32, #tpu.memory_space<vmem>>) offsets(%dma_start3A_7 : memref<16xi32, #tpu.memory_space<vmem>>) semaphore(%arg22 : memref<!tpu.dma_semaphore, #tpu.memory_space<semaphore_mem>>)
    %dma_start3A_11 = arith.constant 1 : i32
    %dma_start3A_12 = arith.constant 0 : i32
    %dma_start3A_13 = tpu.memref_slice %arg15[%dma_start3A_11, %dma_start3A_12] : memref<3x16xi32, #tpu.memory_space<vmem>> -> memref<1x16xi32, #tpu.memory_space<vmem>>
    %dma_start3A_14 = tpu.memref_squeeze %dma_start3A_13 : memref<1x16xi32, #tpu.memory_space<vmem>> -> memref<16xi32, #tpu.memory_space<vmem>>
    %dma_start3A_15 = arith.constant 0 : i32
    %dma_start3A_16 = arith.constant 0 : i32
    %dma_start3A_17 = tpu.memref_slice %arg3[%dma_start3A_15, %dma_start3A_16] : memref<1000x64xf32, #tpu.memory_space<hbm>> -> memref<1000x64xf32, #tpu.memory_space<hbm>>
    tpu.enqueue_indirect_dma source(%dma_start3A_17 : memref<1000x64xf32, #tpu.memory_space<hbm>>) target(%arg17 : memref<16x64xf32, #tpu.memory_space<vmem>>) offsets(%dma_start3A_14 : memref<16xi32, #tpu.memory_space<vmem>>) semaphore(%arg22 : memref<!tpu.dma_semaphore, #tpu.memory_space<semaphore_mem>>)
    %dma_start3A_18 = arith.constant 2 : i32
    %dma_start3A_19 = arith.constant 0 : i32
    %dma_start3A_20 = tpu.memref_slice %arg15[%dma_start3A_18, %dma_start3A_19] : memref<3x16xi32, #tpu.memory_space<vmem>> -> memref<1x16xi32, #tpu.memory_space<vmem>>
    %dma_start3A_21 = tpu.memref_squeeze %dma_start3A_20 : memref<1x16xi32, #tpu.memory_space<vmem>> -> memref<16xi32, #tpu.memory_space<vmem>>
    %dma_start3A_22 = arith.constant 0 : i32
    %dma_start3A_23 = arith.constant 0 : i32
    %dma_start3A_24 = tpu.memref_slice %arg2[%dma_start3A_22, %dma_start3A_23] : memref<100000x64xf32, #tpu.memory_space<hbm>> -> memref<100000x64xf32, #tpu.memory_space<hbm>>
    tpu.enqueue_indirect_dma source(%dma_start3A_24 : memref<100000x64xf32, #tpu.memory_space<hbm>>) target(%arg18 : memref<16x64xf32, #tpu.memory_space<vmem>>) offsets(%dma_start3A_21 : memref<16xi32, #tpu.memory_space<vmem>>) semaphore(%arg22 : memref<!tpu.dma_semaphore, #tpu.memory_space<semaphore_mem>>)
    %dma_start3A_25 = arith.constant 0 : i32
    %dma_start3A_26 = arith.constant 0 : i32
    %dma_start3A_27 = tpu.memref_slice %arg15[%dma_start3A_25, %dma_start3A_26] : memref<3x16xi32, #tpu.memory_space<vmem>> -> memref<1x16xi32, #tpu.memory_space<vmem>>
    %dma_start3A_28 = tpu.memref_squeeze %dma_start3A_27 : memref<1x16xi32, #tpu.memory_space<vmem>> -> memref<16xi32, #tpu.memory_space<vmem>>
    %dma_start3A_29 = arith.constant 0 : i32
    %dma_start3A_30 = arith.constant 0 : i32
    %dma_start3A_31 = tpu.memref_slice %arg4[%dma_start3A_29, %dma_start3A_30] : memref<100000x64xf32, #tpu.memory_space<hbm>> -> memref<100000x64xf32, #tpu.memory_space<hbm>>
    tpu.enqueue_indirect_dma source(%dma_start3A_31 : memref<100000x64xf32, #tpu.memory_space<hbm>>) target(%arg19 : memref<16x64xf32, #tpu.memory_space<vmem>>) offsets(%dma_start3A_28 : memref<16xi32, #tpu.memory_space<vmem>>) semaphore(%arg22 : memref<!tpu.dma_semaphore, #tpu.memory_space<semaphore_mem>>)
    %dma_start3A_32 = arith.constant 1 : i32
    %dma_start3A_33 = arith.constant 0 : i32
    %dma_start3A_34 = tpu.memref_slice %arg15[%dma_start3A_32, %dma_start3A_33] : memref<3x16xi32, #tpu.memory_space<vmem>> -> memref<1x16xi32, #tpu.memory_space<vmem>>
    %dma_start3A_35 = tpu.memref_squeeze %dma_start3A_34 : memref<1x16xi32, #tpu.memory_space<vmem>> -> memref<16xi32, #tpu.memory_space<vmem>>
    %dma_start3A_36 = arith.constant 0 : i32
    %dma_start3A_37 = arith.constant 0 : i32
    %dma_start3A_38 = tpu.memref_slice %arg5[%dma_start3A_36, %dma_start3A_37] : memref<1000x64xf32, #tpu.memory_space<hbm>> -> memref<1000x64xf32, #tpu.memory_space<hbm>>
    tpu.enqueue_indirect_dma source(%dma_start3A_38 : memref<1000x64xf32, #tpu.memory_space<hbm>>) target(%arg20 : memref<16x64xf32, #tpu.memory_space<vmem>>) offsets(%dma_start3A_35 : memref<16xi32, #tpu.memory_space<vmem>>) semaphore(%arg22 : memref<!tpu.dma_semaphore, #tpu.memory_space<semaphore_mem>>)
    %dma_start3A_39 = arith.constant 2 : i32
    %dma_start3A_40 = arith.constant 0 : i32
    %dma_start3A_41 = tpu.memref_slice %arg15[%dma_start3A_39, %dma_start3A_40] : memref<3x16xi32, #tpu.memory_space<vmem>> -> memref<1x16xi32, #tpu.memory_space<vmem>>
    %dma_start3A_42 = tpu.memref_squeeze %dma_start3A_41 : memref<1x16xi32, #tpu.memory_space<vmem>> -> memref<16xi32, #tpu.memory_space<vmem>>
    %dma_start3A_43 = arith.constant 0 : i32
    %dma_start3A_44 = arith.constant 0 : i32
    %dma_start3A_45 = tpu.memref_slice %arg4[%dma_start3A_43, %dma_start3A_44] : memref<100000x64xf32, #tpu.memory_space<hbm>> -> memref<100000x64xf32, #tpu.memory_space<hbm>>
    tpu.enqueue_indirect_dma source(%dma_start3A_45 : memref<100000x64xf32, #tpu.memory_space<hbm>>) target(%arg21 : memref<16x64xf32, #tpu.memory_space<vmem>>) offsets(%dma_start3A_42 : memref<16xi32, #tpu.memory_space<vmem>>) semaphore(%arg22 : memref<!tpu.dma_semaphore, #tpu.memory_space<semaphore_mem>>)
    %dma_wait3A = arith.constant 0 : i32
    %dma_wait3A_46 = arith.constant 0 : i32
    %dma_wait3A_47 = tpu.memref_slice %arg15[%dma_wait3A, %dma_wait3A_46] : memref<3x16xi32, #tpu.memory_space<vmem>> -> memref<1x16xi32, #tpu.memory_space<vmem>>
    %dma_wait3A_48 = tpu.memref_squeeze %dma_wait3A_47 : memref<1x16xi32, #tpu.memory_space<vmem>> -> memref<16xi32, #tpu.memory_space<vmem>>
    %dma_wait3A_49 = arith.constant 0 : i32
    %dma_wait3A_50 = arith.constant 0 : i32
    %dma_wait3A_51 = tpu.memref_slice %arg2[%dma_wait3A_49, %dma_wait3A_50] : memref<100000x64xf32, #tpu.memory_space<hbm>> -> memref<100000x64xf32, #tpu.memory_space<hbm>>
    tpu.wait_indirect_dma semaphore(%arg22 : memref<!tpu.dma_semaphore, #tpu.memory_space<semaphore_mem>>) src(%dma_wait3A_51 : memref<100000x64xf32, #tpu.memory_space<hbm>>) dst(%arg16 : memref<16x64xf32, #tpu.memory_space<vmem>>)
    %dma_wait3A_52 = arith.constant 1 : i32
    %dma_wait3A_53 = arith.constant 0 : i32
    %dma_wait3A_54 = tpu.memref_slice %arg15[%dma_wait3A_52, %dma_wait3A_53] : memref<3x16xi32, #tpu.memory_space<vmem>> -> memref<1x16xi32, #tpu.memory_space<vmem>>
    %dma_wait3A_55 = tpu.memref_squeeze %dma_wait3A_54 : memref<1x16xi32, #tpu.memory_space<vmem>> -> memref<16xi32, #tpu.memory_space<vmem>>
    %dma_wait3A_56 = arith.constant 0 : i32
    %dma_wait3A_57 = arith.constant 0 : i32
    %dma_wait3A_58 = tpu.memref_slice %arg3[%dma_wait3A_56, %dma_wait3A_57] : memref<1000x64xf32, #tpu.memory_space<hbm>> -> memref<1000x64xf32, #tpu.memory_space<hbm>>
    tpu.wait_indirect_dma semaphore(%arg22 : memref<!tpu.dma_semaphore, #tpu.memory_space<semaphore_mem>>) src(%dma_wait3A_58 : memref<1000x64xf32, #tpu.memory_space<hbm>>) dst(%arg17 : memref<16x64xf32, #tpu.memory_space<vmem>>)
    %dma_wait3A_59 = arith.constant 2 : i32
    %dma_wait3A_60 = arith.constant 0 : i32
    %dma_wait3A_61 = tpu.memref_slice %arg15[%dma_wait3A_59, %dma_wait3A_60] : memref<3x16xi32, #tpu.memory_space<vmem>> -> memref<1x16xi32, #tpu.memory_space<vmem>>
    %dma_wait3A_62 = tpu.memref_squeeze %dma_wait3A_61 : memref<1x16xi32, #tpu.memory_space<vmem>> -> memref<16xi32, #tpu.memory_space<vmem>>
    %dma_wait3A_63 = arith.constant 0 : i32
    %dma_wait3A_64 = arith.constant 0 : i32
    %dma_wait3A_65 = tpu.memref_slice %arg2[%dma_wait3A_63, %dma_wait3A_64] : memref<100000x64xf32, #tpu.memory_space<hbm>> -> memref<100000x64xf32, #tpu.memory_space<hbm>>
    tpu.wait_indirect_dma semaphore(%arg22 : memref<!tpu.dma_semaphore, #tpu.memory_space<semaphore_mem>>) src(%dma_wait3A_65 : memref<100000x64xf32, #tpu.memory_space<hbm>>) dst(%arg18 : memref<16x64xf32, #tpu.memory_space<vmem>>)
    %dma_wait3A_66 = arith.constant 0 : i32
    %dma_wait3A_67 = arith.constant 0 : i32
    %dma_wait3A_68 = tpu.memref_slice %arg15[%dma_wait3A_66, %dma_wait3A_67] : memref<3x16xi32, #tpu.memory_space<vmem>> -> memref<1x16xi32, #tpu.memory_space<vmem>>
    %dma_wait3A_69 = tpu.memref_squeeze %dma_wait3A_68 : memref<1x16xi32, #tpu.memory_space<vmem>> -> memref<16xi32, #tpu.memory_space<vmem>>
    %dma_wait3A_70 = arith.constant 0 : i32
    %dma_wait3A_71 = arith.constant 0 : i32
    %dma_wait3A_72 = tpu.memref_slice %arg4[%dma_wait3A_70, %dma_wait3A_71] : memref<100000x64xf32, #tpu.memory_space<hbm>> -> memref<100000x64xf32, #tpu.memory_space<hbm>>
    tpu.wait_indirect_dma semaphore(%arg22 : memref<!tpu.dma_semaphore, #tpu.memory_space<semaphore_mem>>) src(%dma_wait3A_72 : memref<100000x64xf32, #tpu.memory_space<hbm>>) dst(%arg19 : memref<16x64xf32, #tpu.memory_space<vmem>>)
    %dma_wait3A_73 = arith.constant 1 : i32
    %dma_wait3A_74 = arith.constant 0 : i32
    %dma_wait3A_75 = tpu.memref_slice %arg15[%dma_wait3A_73, %dma_wait3A_74] : memref<3x16xi32, #tpu.memory_space<vmem>> -> memref<1x16xi32, #tpu.memory_space<vmem>>
    %dma_wait3A_76 = tpu.memref_squeeze %dma_wait3A_75 : memref<1x16xi32, #tpu.memory_space<vmem>> -> memref<16xi32, #tpu.memory_space<vmem>>
    %dma_wait3A_77 = arith.constant 0 : i32
    %dma_wait3A_78 = arith.constant 0 : i32
    %dma_wait3A_79 = tpu.memref_slice %arg5[%dma_wait3A_77, %dma_wait3A_78] : memref<1000x64xf32, #tpu.memory_space<hbm>> -> memref<1000x64xf32, #tpu.memory_space<hbm>>
    tpu.wait_indirect_dma semaphore(%arg22 : memref<!tpu.dma_semaphore, #tpu.memory_space<semaphore_mem>>) src(%dma_wait3A_79 : memref<1000x64xf32, #tpu.memory_space<hbm>>) dst(%arg20 : memref<16x64xf32, #tpu.memory_space<vmem>>)
    %dma_wait3A_80 = arith.constant 2 : i32
    %dma_wait3A_81 = arith.constant 0 : i32
    %dma_wait3A_82 = tpu.memref_slice %arg15[%dma_wait3A_80, %dma_wait3A_81] : memref<3x16xi32, #tpu.memory_space<vmem>> -> memref<1x16xi32, #tpu.memory_space<vmem>>
    %dma_wait3A_83 = tpu.memref_squeeze %dma_wait3A_82 : memref<1x16xi32, #tpu.memory_space<vmem>> -> memref<16xi32, #tpu.memory_space<vmem>>
    %dma_wait3A_84 = arith.constant 0 : i32
    %dma_wait3A_85 = arith.constant 0 : i32
    %dma_wait3A_86 = tpu.memref_slice %arg4[%dma_wait3A_84, %dma_wait3A_85] : memref<100000x64xf32, #tpu.memory_space<hbm>> -> memref<100000x64xf32, #tpu.memory_space<hbm>>
    tpu.wait_indirect_dma semaphore(%arg22 : memref<!tpu.dma_semaphore, #tpu.memory_space<semaphore_mem>>) src(%dma_wait3A_86 : memref<100000x64xf32, #tpu.memory_space<hbm>>) dst(%arg21 : memref<16x64xf32, #tpu.memory_space<vmem>>)
    "tpu.region"() ({
      %run_scoped3A_87 = tpu.sem_alloc : memref<!tpu.dma_semaphore, #tpu.memory_space<semaphore_mem>>
      %dma_start3A_88 = arith.constant 0 : i32
      %dma_start3A_89 = tpu.memref_slice %arg9[%mul3A_2, %dma_start3A_88] : memref<512x64xf32, #tpu.memory_space<hbm>> -> memref<16x64xf32, #tpu.memory_space<hbm>>
      %dma_start3A_90 = arith.constant 0 : i32
      %dma_start3A_91 = tpu.memref_slice %arg9[%mul3A_2, %dma_start3A_90] : memref<512x64xf32, #tpu.memory_space<hbm>> -> memref<16x64xf32, #tpu.memory_space<hbm>>
      tpu.enqueue_dma source(%arg16 : memref<16x64xf32, #tpu.memory_space<vmem>>) target(%dma_start3A_91 : memref<16x64xf32, #tpu.memory_space<hbm>>) target_semaphore(%run_scoped3A_87 : memref<!tpu.dma_semaphore, #tpu.memory_space<semaphore_mem>>)
      %dma_wait3A_92 = arith.constant 0 : i32
      %dma_wait3A_93 = tpu.memref_slice %arg9[%mul3A_2, %dma_wait3A_92] : memref<512x64xf32, #tpu.memory_space<hbm>> -> memref<16x64xf32, #tpu.memory_space<hbm>>
      %dma_wait3A_94 = arith.constant 0 : i32
      %dma_wait3A_95 = tpu.memref_slice %arg9[%mul3A_2, %dma_wait3A_94] : memref<512x64xf32, #tpu.memory_space<hbm>> -> memref<16x64xf32, #tpu.memory_space<hbm>>
      tpu.wait_dma2 semaphore(%run_scoped3A_87 : memref<!tpu.dma_semaphore, #tpu.memory_space<semaphore_mem>>) src(%arg16 : memref<16x64xf32, #tpu.memory_space<vmem>>) dst(%dma_wait3A_95 : memref<16x64xf32, #tpu.memory_space<hbm>>)
      tpu.yield
    }) : () -> ()
    "tpu.region"() ({
      %run_scoped3A_87 = tpu.sem_alloc : memref<!tpu.dma_semaphore, #tpu.memory_space<semaphore_mem>>
      %dma_start3A_88 = arith.constant 0 : i32
      %dma_start3A_89 = tpu.memref_slice %arg10[%mul3A_2, %dma_start3A_88] : memref<512x64xf32, #tpu.memory_space<hbm>> -> memref<16x64xf32, #tpu.memory_space<hbm>>
      %dma_start3A_90 = arith.constant 0 : i32
      %dma_start3A_91 = tpu.memref_slice %arg10[%mul3A_2, %dma_start3A_90] : memref<512x64xf32, #tpu.memory_space<hbm>> -> memref<16x64xf32, #tpu.memory_space<hbm>>
      tpu.enqueue_dma source(%arg17 : memref<16x64xf32, #tpu.memory_space<vmem>>) target(%dma_start3A_91 : memref<16x64xf32, #tpu.memory_space<hbm>>) target_semaphore(%run_scoped3A_87 : memref<!tpu.dma_semaphore, #tpu.memory_space<semaphore_mem>>)
      %dma_wait3A_92 = arith.constant 0 : i32
      %dma_wait3A_93 = tpu.memref_slice %arg10[%mul3A_2, %dma_wait3A_92] : memref<512x64xf32, #tpu.memory_space<hbm>> -> memref<16x64xf32, #tpu.memory_space<hbm>>
      %dma_wait3A_94 = arith.constant 0 : i32
      %dma_wait3A_95 = tpu.memref_slice %arg10[%mul3A_2, %dma_wait3A_94] : memref<512x64xf32, #tpu.memory_space<hbm>> -> memref<16x64xf32, #tpu.memory_space<hbm>>
      tpu.wait_dma2 semaphore(%run_scoped3A_87 : memref<!tpu.dma_semaphore, #tpu.memory_space<semaphore_mem>>) src(%arg17 : memref<16x64xf32, #tpu.memory_space<vmem>>) dst(%dma_wait3A_95 : memref<16x64xf32, #tpu.memory_space<hbm>>)
      tpu.yield
    }) : () -> ()
    "tpu.region"() ({
      %run_scoped3A_87 = tpu.sem_alloc : memref<!tpu.dma_semaphore, #tpu.memory_space<semaphore_mem>>
      %dma_start3A_88 = arith.constant 0 : i32
      %dma_start3A_89 = tpu.memref_slice %arg11[%mul3A_2, %dma_start3A_88] : memref<512x64xf32, #tpu.memory_space<hbm>> -> memref<16x64xf32, #tpu.memory_space<hbm>>
      %dma_start3A_90 = arith.constant 0 : i32
      %dma_start3A_91 = tpu.memref_slice %arg11[%mul3A_2, %dma_start3A_90] : memref<512x64xf32, #tpu.memory_space<hbm>> -> memref<16x64xf32, #tpu.memory_space<hbm>>
      tpu.enqueue_dma source(%arg18 : memref<16x64xf32, #tpu.memory_space<vmem>>) target(%dma_start3A_91 : memref<16x64xf32, #tpu.memory_space<hbm>>) target_semaphore(%run_scoped3A_87 : memref<!tpu.dma_semaphore, #tpu.memory_space<semaphore_mem>>)
      %dma_wait3A_92 = arith.constant 0 : i32
      %dma_wait3A_93 = tpu.memref_slice %arg11[%mul3A_2, %dma_wait3A_92] : memref<512x64xf32, #tpu.memory_space<hbm>> -> memref<16x64xf32, #tpu.memory_space<hbm>>
      %dma_wait3A_94 = arith.constant 0 : i32
      %dma_wait3A_95 = tpu.memref_slice %arg11[%mul3A_2, %dma_wait3A_94] : memref<512x64xf32, #tpu.memory_space<hbm>> -> memref<16x64xf32, #tpu.memory_space<hbm>>
      tpu.wait_dma2 semaphore(%run_scoped3A_87 : memref<!tpu.dma_semaphore, #tpu.memory_space<semaphore_mem>>) src(%arg18 : memref<16x64xf32, #tpu.memory_space<vmem>>) dst(%dma_wait3A_95 : memref<16x64xf32, #tpu.memory_space<hbm>>)
      tpu.yield
    }) : () -> ()
    "tpu.region"() ({
      %run_scoped3A_87 = tpu.sem_alloc : memref<!tpu.dma_semaphore, #tpu.memory_space<semaphore_mem>>
      %dma_start3A_88 = arith.constant 0 : i32
      %dma_start3A_89 = tpu.memref_slice %arg12[%mul3A_2, %dma_start3A_88] : memref<512x64xf32, #tpu.memory_space<hbm>> -> memref<16x64xf32, #tpu.memory_space<hbm>>
      %dma_start3A_90 = arith.constant 0 : i32
      %dma_start3A_91 = tpu.memref_slice %arg12[%mul3A_2, %dma_start3A_90] : memref<512x64xf32, #tpu.memory_space<hbm>> -> memref<16x64xf32, #tpu.memory_space<hbm>>
      tpu.enqueue_dma source(%arg19 : memref<16x64xf32, #tpu.memory_space<vmem>>) target(%dma_start3A_91 : memref<16x64xf32, #tpu.memory_space<hbm>>) target_semaphore(%run_scoped3A_87 : memref<!tpu.dma_semaphore, #tpu.memory_space<semaphore_mem>>)
      %dma_wait3A_92 = arith.constant 0 : i32
      %dma_wait3A_93 = tpu.memref_slice %arg12[%mul3A_2, %dma_wait3A_92] : memref<512x64xf32, #tpu.memory_space<hbm>> -> memref<16x64xf32, #tpu.memory_space<hbm>>
      %dma_wait3A_94 = arith.constant 0 : i32
      %dma_wait3A_95 = tpu.memref_slice %arg12[%mul3A_2, %dma_wait3A_94] : memref<512x64xf32, #tpu.memory_space<hbm>> -> memref<16x64xf32, #tpu.memory_space<hbm>>
      tpu.wait_dma2 semaphore(%run_scoped3A_87 : memref<!tpu.dma_semaphore, #tpu.memory_space<semaphore_mem>>) src(%arg19 : memref<16x64xf32, #tpu.memory_space<vmem>>) dst(%dma_wait3A_95 : memref<16x64xf32, #tpu.memory_space<hbm>>)
      tpu.yield
    }) : () -> ()
    "tpu.region"() ({
      %run_scoped3A_87 = tpu.sem_alloc : memref<!tpu.dma_semaphore, #tpu.memory_space<semaphore_mem>>
      %dma_start3A_88 = arith.constant 0 : i32
      %dma_start3A_89 = tpu.memref_slice %arg13[%mul3A_2, %dma_start3A_88] : memref<512x64xf32, #tpu.memory_space<hbm>> -> memref<16x64xf32, #tpu.memory_space<hbm>>
      %dma_start3A_90 = arith.constant 0 : i32
      %dma_start3A_91 = tpu.memref_slice %arg13[%mul3A_2, %dma_start3A_90] : memref<512x64xf32, #tpu.memory_space<hbm>> -> memref<16x64xf32, #tpu.memory_space<hbm>>
      tpu.enqueue_dma source(%arg20 : memref<16x64xf32, #tpu.memory_space<vmem>>) target(%dma_start3A_91 : memref<16x64xf32, #tpu.memory_space<hbm>>) target_semaphore(%run_scoped3A_87 : memref<!tpu.dma_semaphore, #tpu.memory_space<semaphore_mem>>)
      %dma_wait3A_92 = arith.constant 0 : i32
      %dma_wait3A_93 = tpu.memref_slice %arg13[%mul3A_2, %dma_wait3A_92] : memref<512x64xf32, #tpu.memory_space<hbm>> -> memref<16x64xf32, #tpu.memory_space<hbm>>
      %dma_wait3A_94 = arith.constant 0 : i32
      %dma_wait3A_95 = tpu.memref_slice %arg13[%mul3A_2, %dma_wait3A_94] : memref<512x64xf32, #tpu.memory_space<hbm>> -> memref<16x64xf32, #tpu.memory_space<hbm>>
      tpu.wait_dma2 semaphore(%run_scoped3A_87 : memref<!tpu.dma_semaphore, #tpu.memory_space<semaphore_mem>>) src(%arg20 : memref<16x64xf32, #tpu.memory_space<vmem>>) dst(%dma_wait3A_95 : memref<16x64xf32, #tpu.memory_space<hbm>>)
      tpu.yield
    }) : () -> ()
    "tpu.region"() ({
      %run_scoped3A_87 = tpu.sem_alloc : memref<!tpu.dma_semaphore, #tpu.memory_space<semaphore_mem>>
      %dma_start3A_88 = arith.constant 0 : i32
      %dma_start3A_89 = tpu.memref_slice %arg14[%mul3A_2, %dma_start3A_88] : memref<512x64xf32, #tpu.memory_space<hbm>> -> memref<16x64xf32, #tpu.memory_space<hbm>>
      %dma_start3A_90 = arith.constant 0 : i32
      %dma_start3A_91 = tpu.memref_slice %arg14[%mul3A_2, %dma_start3A_90] : memref<512x64xf32, #tpu.memory_space<hbm>> -> memref<16x64xf32, #tpu.memory_space<hbm>>
      tpu.enqueue_dma source(%arg21 : memref<16x64xf32, #tpu.memory_space<vmem>>) target(%dma_start3A_91 : memref<16x64xf32, #tpu.memory_space<hbm>>) target_semaphore(%run_scoped3A_87 : memref<!tpu.dma_semaphore, #tpu.memory_space<semaphore_mem>>)
      %dma_wait3A_92 = arith.constant 0 : i32
      %dma_wait3A_93 = tpu.memref_slice %arg14[%mul3A_2, %dma_wait3A_92] : memref<512x64xf32, #tpu.memory_space<hbm>> -> memref<16x64xf32, #tpu.memory_space<hbm>>
      %dma_wait3A_94 = arith.constant 0 : i32
      %dma_wait3A_95 = tpu.memref_slice %arg14[%mul3A_2, %dma_wait3A_94] : memref<512x64xf32, #tpu.memory_space<hbm>> -> memref<16x64xf32, #tpu.memory_space<hbm>>
      tpu.wait_dma2 semaphore(%run_scoped3A_87 : memref<!tpu.dma_semaphore, #tpu.memory_space<semaphore_mem>>) src(%arg21 : memref<16x64xf32, #tpu.memory_space<vmem>>) dst(%dma_wait3A_95 : memref<16x64xf32, #tpu.memory_space<hbm>>)
      tpu.yield
    }) : () -> ()
    return
  }
}

module attributes {stable_mosaic.version = 14 : i64} {
  func.func @_dense(%arg0: memref<512x64xf32, #tpu.memory_space<vmem>>, %arg1: memref<512x64xf32, #tpu.memory_space<vmem>>, %arg2: memref<512x64xf32, #tpu.memory_space<vmem>>, %arg3: memref<512x64xf32, #tpu.memory_space<vmem>>, %arg4: memref<512x64xf32, #tpu.memory_space<vmem>>, %arg5: memref<512x64xf32, #tpu.memory_space<vmem>>, %arg6: memref<512x512xf32, #tpu.memory_space<vmem>>) attributes {dimension_semantics = [], scalar_prefetch = 0 : i64, scratch_operands = 0 : i64, tpu.core_type = #tpu.core_type<tc>} {
    %get3A = arith.constant 0 : index
    %get3A_0 = arith.constant 0 : index
    %get3A_1 = vector.load %arg0[%get3A, %get3A_0] : memref<512x64xf32, #tpu.memory_space<vmem>>, vector<512x64xf32>
    %get3A_2 = arith.constant 0 : index
    %get3A_3 = arith.constant 0 : index
    %get3A_4 = vector.load %arg1[%get3A_2, %get3A_3] : memref<512x64xf32, #tpu.memory_space<vmem>>, vector<512x64xf32>
    %get3A_5 = arith.constant 0 : index
    %get3A_6 = arith.constant 0 : index
    %get3A_7 = vector.load %arg2[%get3A_5, %get3A_6] : memref<512x64xf32, #tpu.memory_space<vmem>>, vector<512x64xf32>
    %get3A_8 = arith.constant 0 : index
    %get3A_9 = arith.constant 0 : index
    %get3A_10 = vector.load %arg3[%get3A_8, %get3A_9] : memref<512x64xf32, #tpu.memory_space<vmem>>, vector<512x64xf32>
    %get3A_11 = arith.constant 0 : index
    %get3A_12 = arith.constant 0 : index
    %get3A_13 = vector.load %arg4[%get3A_11, %get3A_12] : memref<512x64xf32, #tpu.memory_space<vmem>>, vector<512x64xf32>
    %get3A_14 = arith.constant 0 : index
    %get3A_15 = arith.constant 0 : index
    %get3A_16 = vector.load %arg5[%get3A_14, %get3A_15] : memref<512x64xf32, #tpu.memory_space<vmem>>, vector<512x64xf32>
    %add3A = arith.addf %get3A_1, %get3A_4 : vector<512x64xf32>
    %sub3A = arith.subf %add3A, %get3A_7 : vector<512x64xf32>
    %dot_general3A = arith.constant dense<0.000000e+00> : vector<512x512xf32>
    %dot_general3A_17 = tpu.matmul %get3A_1, %get3A_10, %dot_general3A {dimension_numbers = #tpu.dot_dimension_numbers<[1], [1], [0], [0], [0, 0, 1, 0], [], []>, precision = #tpu.contract_precision<fp32>, transpose_lhs_hint = false} : vector<512x64xf32>, vector<512x64xf32>, vector<512x512xf32> -> vector<512x512xf32>
    %dot_general3A_18 = arith.constant dense<0.000000e+00> : vector<512x512xf32>
    %dot_general3A_19 = tpu.matmul %get3A_4, %get3A_13, %dot_general3A_18 {dimension_numbers = #tpu.dot_dimension_numbers<[1], [1], [0], [0], [0, 0, 1, 0], [], []>, precision = #tpu.contract_precision<fp32>, transpose_lhs_hint = false} : vector<512x64xf32>, vector<512x64xf32>, vector<512x512xf32> -> vector<512x512xf32>
    %dot_general3A_20 = arith.constant dense<0.000000e+00> : vector<512x512xf32>
    %dot_general3A_21 = tpu.matmul %get3A_7, %get3A_16, %dot_general3A_20 {dimension_numbers = #tpu.dot_dimension_numbers<[1], [1], [0], [0], [0, 0, 1, 0], [], []>, precision = #tpu.contract_precision<fp32>, transpose_lhs_hint = false} : vector<512x64xf32>, vector<512x64xf32>, vector<512x512xf32> -> vector<512x512xf32>
    %dot_general3A_22 = arith.constant dense<0.000000e+00> : vector<512x512xf32>
    %dot_general3A_23 = tpu.matmul %sub3A, %get3A_10, %dot_general3A_22 {dimension_numbers = #tpu.dot_dimension_numbers<[1], [1], [0], [0], [0, 0, 1, 0], [], []>, precision = #tpu.contract_precision<fp32>, transpose_lhs_hint = false} : vector<512x64xf32>, vector<512x64xf32>, vector<512x512xf32> -> vector<512x512xf32>
    %dot_general3A_24 = arith.constant dense<0.000000e+00> : vector<512x512xf32>
    %dot_general3A_25 = tpu.matmul %sub3A, %get3A_13, %dot_general3A_24 {dimension_numbers = #tpu.dot_dimension_numbers<[1], [1], [0], [0], [0, 0, 1, 0], [], []>, precision = #tpu.contract_precision<fp32>, transpose_lhs_hint = false} : vector<512x64xf32>, vector<512x64xf32>, vector<512x512xf32> -> vector<512x512xf32>
    %dot_general3A_26 = arith.constant dense<0.000000e+00> : vector<512x512xf32>
    %dot_general3A_27 = tpu.matmul %sub3A, %get3A_16, %dot_general3A_26 {dimension_numbers = #tpu.dot_dimension_numbers<[1], [1], [0], [0], [0, 0, 1, 0], [], []>, precision = #tpu.contract_precision<fp32>, transpose_lhs_hint = false} : vector<512x64xf32>, vector<512x64xf32>, vector<512x512xf32> -> vector<512x512xf32>
    %mul3A = arith.mulf %sub3A, %sub3A : vector<512x64xf32>
    %reduce_sum3A = arith.constant dense<0.000000e+00> : vector<512xf32>
    %reduce_sum3A_28 = vector.multi_reduction <add>, %mul3A, %reduce_sum3A [1] : vector<512x64xf32> to vector<512xf32>
    %broadcast_in_dim3A = vector.shape_cast %reduce_sum3A_28 : vector<512xf32> to vector<512x1xf32>
    %mul3A_29 = arith.mulf %get3A_10, %get3A_10 : vector<512x64xf32>
    %reduce_sum3A_30 = arith.constant dense<0.000000e+00> : vector<512xf32>
    %reduce_sum3A_31 = vector.multi_reduction <add>, %mul3A_29, %reduce_sum3A_30 [1] : vector<512x64xf32> to vector<512xf32>
    %broadcast_in_dim3A_32 = vector.shape_cast %reduce_sum3A_31 : vector<512xf32> to vector<1x512xf32>
    %mul3A_33 = arith.mulf %get3A_13, %get3A_13 : vector<512x64xf32>
    %reduce_sum3A_34 = arith.constant dense<0.000000e+00> : vector<512xf32>
    %reduce_sum3A_35 = vector.multi_reduction <add>, %mul3A_33, %reduce_sum3A_34 [1] : vector<512x64xf32> to vector<512xf32>
    %broadcast_in_dim3A_36 = vector.shape_cast %reduce_sum3A_35 : vector<512xf32> to vector<1x512xf32>
    %mul3A_37 = arith.mulf %get3A_16, %get3A_16 : vector<512x64xf32>
    %reduce_sum3A_38 = arith.constant dense<0.000000e+00> : vector<512xf32>
    %reduce_sum3A_39 = vector.multi_reduction <add>, %mul3A_37, %reduce_sum3A_38 [1] : vector<512x64xf32> to vector<512xf32>
    %broadcast_in_dim3A_40 = vector.shape_cast %reduce_sum3A_39 : vector<512xf32> to vector<1x512xf32>
    %mul3A_41 = arith.mulf %get3A_10, %get3A_13 : vector<512x64xf32>
    %reduce_sum3A_42 = arith.constant dense<0.000000e+00> : vector<512xf32>
    %reduce_sum3A_43 = vector.multi_reduction <add>, %mul3A_41, %reduce_sum3A_42 [1] : vector<512x64xf32> to vector<512xf32>
    %broadcast_in_dim3A_44 = vector.shape_cast %reduce_sum3A_43 : vector<512xf32> to vector<1x512xf32>
    %mul3A_45 = arith.mulf %get3A_10, %get3A_16 : vector<512x64xf32>
    %reduce_sum3A_46 = arith.constant dense<0.000000e+00> : vector<512xf32>
    %reduce_sum3A_47 = vector.multi_reduction <add>, %mul3A_45, %reduce_sum3A_46 [1] : vector<512x64xf32> to vector<512xf32>
    %broadcast_in_dim3A_48 = vector.shape_cast %reduce_sum3A_47 : vector<512xf32> to vector<1x512xf32>
    %mul3A_49 = arith.mulf %get3A_13, %get3A_16 : vector<512x64xf32>
    %reduce_sum3A_50 = arith.constant dense<0.000000e+00> : vector<512xf32>
    %reduce_sum3A_51 = vector.multi_reduction <add>, %mul3A_49, %reduce_sum3A_50 [1] : vector<512x64xf32> to vector<512xf32>
    %broadcast_in_dim3A_52 = vector.shape_cast %reduce_sum3A_51 : vector<512xf32> to vector<1x512xf32>
    %mul3A_53 = arith.mulf %dot_general3A_17, %dot_general3A_17 : vector<512x512xf32>
    %mul3A_54 = vector.broadcast %broadcast_in_dim3A_32 : vector<1x512xf32> to vector<512x512xf32>
    %mul3A_55 = arith.mulf %mul3A_53, %mul3A_54 : vector<512x512xf32>
    %add3A_56 = vector.broadcast %broadcast_in_dim3A : vector<512x1xf32> to vector<512x512xf32>
    %add3A_57 = arith.addf %add3A_56, %mul3A_55 : vector<512x512xf32>
    %mul3A_58 = arith.mulf %dot_general3A_19, %dot_general3A_19 : vector<512x512xf32>
    %mul3A_59 = vector.broadcast %broadcast_in_dim3A_36 : vector<1x512xf32> to vector<512x512xf32>
    %mul3A_60 = arith.mulf %mul3A_58, %mul3A_59 : vector<512x512xf32>
    %add3A_61 = arith.addf %add3A_57, %mul3A_60 : vector<512x512xf32>
    %mul3A_62 = arith.mulf %dot_general3A_21, %dot_general3A_21 : vector<512x512xf32>
    %mul3A_63 = vector.broadcast %broadcast_in_dim3A_40 : vector<1x512xf32> to vector<512x512xf32>
    %mul3A_64 = arith.mulf %mul3A_62, %mul3A_63 : vector<512x512xf32>
    %add3A_65 = arith.addf %add3A_61, %mul3A_64 : vector<512x512xf32>
    %mul3A_66 = arith.mulf %dot_general3A_17, %dot_general3A_23 : vector<512x512xf32>
    %mul3A_67 = arith.mulf %dot_general3A_19, %dot_general3A_25 : vector<512x512xf32>
    %add3A_68 = arith.addf %mul3A_66, %mul3A_67 : vector<512x512xf32>
    %mul3A_69 = arith.mulf %dot_general3A_21, %dot_general3A_27 : vector<512x512xf32>
    %sub3A_70 = arith.subf %add3A_68, %mul3A_69 : vector<512x512xf32>
    %mul3A_71 = arith.constant 2.000000e+00 : f32
    %mul3A_72 = vector.broadcast %mul3A_71 : f32 to vector<512x512xf32>
    %mul3A_73 = arith.mulf %mul3A_72, %sub3A_70 : vector<512x512xf32>
    %add3A_74 = arith.addf %add3A_65, %mul3A_73 : vector<512x512xf32>
    %mul3A_75 = arith.mulf %dot_general3A_17, %dot_general3A_19 : vector<512x512xf32>
    %mul3A_76 = vector.broadcast %broadcast_in_dim3A_44 : vector<1x512xf32> to vector<512x512xf32>
    %mul3A_77 = arith.mulf %mul3A_75, %mul3A_76 : vector<512x512xf32>
    %mul3A_78 = arith.mulf %dot_general3A_17, %dot_general3A_21 : vector<512x512xf32>
    %mul3A_79 = vector.broadcast %broadcast_in_dim3A_48 : vector<1x512xf32> to vector<512x512xf32>
    %mul3A_80 = arith.mulf %mul3A_78, %mul3A_79 : vector<512x512xf32>
    %sub3A_81 = arith.subf %mul3A_77, %mul3A_80 : vector<512x512xf32>
    %mul3A_82 = arith.mulf %dot_general3A_19, %dot_general3A_21 : vector<512x512xf32>
    %mul3A_83 = vector.broadcast %broadcast_in_dim3A_52 : vector<1x512xf32> to vector<512x512xf32>
    %mul3A_84 = arith.mulf %mul3A_82, %mul3A_83 : vector<512x512xf32>
    %sub3A_85 = arith.subf %sub3A_81, %mul3A_84 : vector<512x512xf32>
    %mul3A_86 = arith.constant 2.000000e+00 : f32
    %mul3A_87 = vector.broadcast %mul3A_86 : f32 to vector<512x512xf32>
    %mul3A_88 = arith.mulf %mul3A_87, %sub3A_85 : vector<512x512xf32>
    %add3A_89 = arith.addf %add3A_74, %mul3A_88 : vector<512x512xf32>
    %max3A = arith.constant 0.000000e+00 : f32
    %max3A_90 = vector.broadcast %max3A : f32 to vector<512x512xf32>
    %max3A_91 = arith.maximumf %add3A_89, %max3A_90 : vector<512x512xf32>
    %sqrt3A = math.sqrt %max3A_91 : vector<512x512xf32>
    %swap3A = arith.constant 0 : index
    %swap3A_92 = arith.constant 0 : index
    %swap3A_93 = vector.load %arg6[%swap3A, %swap3A_92] : memref<512x512xf32, #tpu.memory_space<vmem>>, vector<512x512xf32>
    tpu.vector_store %arg6[%swap3A, %swap3A_92], %sqrt3A {strides = array<i32>} : memref<512x512xf32, #tpu.memory_space<vmem>>, vector<512x512xf32>,
    return
  }
}

</mosaic_0001>

<sc_bundles>
// kernel: kernel.4.cloned.1.call-start
scs
__scs_entry_jumppad:
0x0: {  	(pc) =	sbr.rel $0x88, $3  }
0x1: {  	(tag) =	ssettag $0x0;
	lr =	simm.s32 $0x1  }
0x2: {  	[smem:$0x3F9A] =	sst lr;
	_ =	strace $0xD0000000  }
0x3: {  	_ = 	snop  }
0x4: {  	_ = 	snop  }
0x5: {  	_ = 	snop  }
0x6: {  	_ = 	snop  }
0x7: {  	_ = 	snop  }
__scs_overlays_trampoline_lowered:
0x8: {  	[smem:$0x3FA9] =	sst s0  }
0x9: {  	[smem:$0x3FAA] =	sst s1  }
0xa: {  	[smem:$0x3FAB] =	sst s2  }
0xb: {  	[smem:$0x3FAC] =	sst s3  }
0xc: {  	[smem:$0x3FAD] =	sst s4  }
0xd: {  	[smem:$0x3FAE] =	sst s5  }
0xe: {  	[smem:$0x3FAF] =	sst s6  }
0xf: {  	[smem:$0x3FB0] =	sst s7  }
0x10: {  	[smem:$0x3FB1] =	sst s8  }
0x11: {  	[smem:$0x3FB2] =	sst s9;
	s0 =	simm.s32 @!p0 $0x0  }
0x12: {  	s1 =	sld [smem:$0x3F98];
	s0 =	simm.s32 @p0 $0x1  }
0x13: {  	[smem:$0x3FB3] =	sst s0;
	s0 =	simm.s32 @!p1 $0x0  }
0x14: {  	s2 =	sld [smem:$0x3F97];
	s0 =	simm.s32 @p1 $0x1  }
0x15: {  	[smem:$0x3FB4] =	sst s0;
	s0 =	simm.s32 @!p2 $0x0  }
0x16: {  	s3 =	sld [smem:$0x3FDB];
	s0 =	simm.s32 @p2 $0x1  }
0x17: {  	s4 =	simm.s32 $0x1BF5;
	[smem:$0x3FB6] =	sst s0  }
0x18: {  	s0 =	sld [smem:$0x3F99];
	_ =	swait.ge [sflag:s4], $0x0  }
0x19: {  	s7 =	sld [smem:$0x3F9A]  }
0x1a: {  	s8 =	sadd.s32 $0xFFFFE003, lr  }
0x1b: {  	s9 =	sadd.s32 $0xFFFFFEF7, lr;
	s5 =	simm.s32 $0xFFFFFFFF;
	p2 =	slt.u32 s8, $0xFFFFF086  }
0x1c: {  	p1 =	slt.u32 s9, $0xF7A;
	s5 =	simm.s32 @!p2 $0x0  }
0x1d: {  	s5 =	simm.s32 @p1 $0x1;
	p0 =	seq.s32 s7, s2  }
0x1e: {  	s7 =	smul.u32 @!p0 $0xF7A, s2;
	p2 =	seq.s32 @!p0 s5, $0x0  }
0x1f: {  	s9 =	smul.u32 $0xF7A, s1;
	s8 =	simm.s32 @!p0 $0x1BF5;
	p2 =	por !p2, p0  }
0x20: {  	[sflag:s8] =	ssyncset.s32 @!p0 $0xFFFFF086;
	s6 =	sadd.s32 @!p0 s3, s7;
	s7 =	simm.s32 @!p0 $0x108  }
0x21: {  	s3 =	sadd.s32 s3, s9;
	s6 =	sadd.s32 @!p0 $0x88, s6;
	s7 =	simm.s32 @p2 $0x1082  }
0x22: {  	[simem:s7], [sflag:s8] =	dma.local @!p0 [hbm:s6], $0xF7A  }
0x23: {  	s9 =	sor.u32 $0xD0000000, s2;
	s6 =	simm.s32 $0x108;
	_ =	swait.ge @!p0 [sflag:s8], $0x0  }
0x24: {  	s3 =	sadd.s32 $0x88, s3;
	s6 =	simm.s32 @!p1 $0x1082;
	[sflag:s4] =	ssyncset.s32 $0xFFFFF086  }
0x25: {  	[simem:s6], [sflag:s4] =	dma.local [hbm:s3], $0xF7A  }
0x26: {  	[smem:$0x3F9A] =	sst s1;
	(tag) =	ssettag s2;
	_ =	strace s9  }
0x27: {  	s1 =	sld [smem:$0x3FAA]  }
0x28: {  	s2 =	sld [smem:$0x3FAB]  }
0x29: {  	s4 =	sld [smem:$0x3FAD]  }
0x2a: {  	p0 =	seq.s32 s5, $0x0;
	s5 =	sld [smem:$0x3FAE]  }
0x2b: {  	s6 =	sld [smem:$0x3FAF]  }
0x2c: {  	s7 =	sld [smem:$0x3FB0]  }
0x2d: {  	s3 =	simm.s32 $0x108;
	s8 =	sld [smem:$0x3FB1]  }
0x2e: {  	s3 =	simm.s32 @!p0 $0x1082;
	s9 =	sld [smem:$0x3FB2]  }
0x2f: {  	lr =	sadd.s32 s0, s3;
	s0 =	sld [smem:$0x3FA9]  }
0x30: {  	s3 =	sld [smem:$0x3FAC]  }
0x31: {  	[smem:$0x3FB5] =	sst s10  }
0x32: {  	s10 =	sld [smem:$0x3FB3];
	_ =	sdelay $0x3  }
0x33: {  	p0 =	seq.s32 s10, $0x1;
	s10 =	sld [smem:$0x3FB5];
	_ =	sdelay $0x3  }
0x34: {  	[smem:$0x3FB5] =	sst s10  }
0x35: {  	s10 =	sld [smem:$0x3FB4];
	_ =	sdelay $0x3  }
0x36: {  	p1 =	seq.s32 s10, $0x1;
	s10 =	sld [smem:$0x3FB5];
	_ =	sdelay $0x3  }
0x37: {  	[smem:$0x3FB5] =	sst s10  }
0x38: {  	s10 =	sld [smem:$0x3FB6]  }
0x39: {  	_ = 	snop;
	(pc) =	sbr.ind lr, $3  }
0x3a: {  	_ = 	snop  }
0x3b: {  	_ = 	snop  }
0x3c: {  	p2 =	seq.s32 s10, $0x1;
	s10 =	sld [smem:$0x3FB5]  }
0x3d: {  	_ =	shalt  }
0x3e: {  	_ =	shalt  }
0x3f: {  	_ =	shalt  }
0x40: {  	_ =	shalt  }
0x41: {  	_ =	shalt  }
0x42: {  	_ =	shalt  }
0x43: {  	_ =	shalt  }
0x44: {  	_ =	shalt  }
0x45: {  	_ =	shalt  }
0x46: {  	_ =	shalt  }
0x47: {  	_ =	shalt  }
0x48: {  	_ =	shalt  }
0x49: {  	_ =	shalt  }
0x4a: {  	_ =	shalt  }
0x4b: {  	_ =	shalt  }
0x4c: {  	_ =	shalt  }
0x4d: {  	_ =	shalt  }
0x4e: {  	_ =	shalt  }
0x4f: {  	_ =	shalt  }
0x50: {  	_ =	shalt  }
0x51: {  	_ =	shalt  }
0x52: {  	_ =	shalt  }
0x53: {  	_ =	shalt  }
0x54: {  	_ =	shalt  }
0x55: {  	_ =	shalt  }
0x56: {  	_ =	shalt  }
0x57: {  	_ =	shalt  }
0x58: {  	_ =	shalt  }
0x59: {  	_ =	shalt  }
0x5a: {  	_ =	shalt  }
0x5b: {  	_ =	shalt  }
0x5c: {  	_ =	shalt  }
0x5d: {  	_ =	shalt  }
0x5e: {  	_ =	shalt  }
0x5f: {  	_ =	shalt  }
0x60: {  	_ =	shalt  }
0x61: {  	_ =	shalt  }
0x62: {  	_ =	shalt  }
0x63: {  	_ =	shalt  }
0x64: {  	_ =	shalt  }
0x65: {  	_ =	shalt  }
0x66: {  	_ =	shalt  }
0x67: {  	_ =	shalt  }
0x68: {  	_ =	shalt  }
0x69: {  	_ =	shalt  }
0x6a: {  	_ =	shalt  }
0x6b: {  	_ =	shalt  }
0x6c: {  	_ =	shalt  }
0x6d: {  	_ =	shalt  }
0x6e: {  	_ =	shalt  }
0x6f: {  	_ =	shalt  }
0x70: {  	_ =	shalt  }
0x71: {  	_ =	shalt  }
0x72: {  	_ =	shalt  }
0x73: {  	_ =	shalt  }
0x74: {  	_ =	shalt  }
0x75: {  	_ =	shalt  }
0x76: {  	_ =	shalt  }
0x77: {  	_ =	shalt  }
0x78: {  	_ =	shalt  }
0x79: {  	_ =	shalt  }
0x7a: {  	_ =	shalt  }
0x7b: {  	_ =	shalt  }
0x7c: {  	_ =	shalt  }
0x7d: {  	_ =	shalt  }
0x7e: {  	_ =	shalt  }
0x7f: {  	_ =	shalt  }
0x80: {  	_ =	shalt  }
0x81: {  	_ =	shalt  }
0x82: {  	_ =	shalt  }
0x83: {  	_ =	shalt  }
0x84: {  	_ =	shalt  }
0x85: {  	_ =	shalt  }
0x86: {  	_ =	shalt  }
0x87: {  	_ =	shalt  }
.Lfunc_end0:
.L_simem_size_0:
called_computation_lowered:
.L_overlay_start_0:
0x88: {  	s2 =	sld [smem:$0x3FD9]  }
0x89: {  	s3 =	sld [smem:$0x3FFE];
	_ =	sdelay $0x1  }
0x8a: {  	s1 =	srdreg.scid  }
0x8b: {  	s0 =	sand.u32 $0x1, s1  }
0x8c: {  	s17 =	sshll.u32 s0, $0xA;
	s2 =	sadd.s32 s3, s2  }
0x8d: {  	s2 =	sadd.s32 s2, s17  }
0x8e: {  	[smem:$0x3FC1] =	sst s2  }
0x8f: {  	_ = 	snop  }
0x90: {  	s2 =	sld [smem:$0x3FC9]  }
0x91: {  	s18 =	sld [smem:$0x3FC8]  }
0x92: {  	s4 =	sld [smem:$0x3FC7]  }
0x93: {  	s5 =	sld [smem:$0x3FD0];
	(tm) =	ssettm $0x1  }
0x94: {  	s6 =	sld [smem:$0x3FFB];
	_ =	sdelay $0x3  }
0x95: {  	_ =	strace s6  }
0x96: {  	s6 =	sld [smem:$0x3FFC];
	_ =	sdelay $0x3  }
0x97: {  	_ =	strace s6  }
0x98: {  	s6 =	sld [smem:$0x3FFD];
	_ =	sdelay $0x3  }
0x99: {  	_ =	strace s6  }
0x9a: {  	_ =	strace $0x8FFFFFFF  }
0x9b: {  	s19 =	sld [smem:$0x3FDB];
	_ =	sdelay $0x1  }
0x9c: {  	s7 =	simm.s32 $_scs_section_size  }
0x9d: {  	s8 =	simm.s32 $_size__tile_overlayer_lowered;
	s9 =	simm.s32 $_tile_overlayer_lowered  }
0x9e: {  	s22 =	simm.s32 $0x1BFF;
	s21 =	sshll.u32 s9, $0x1;
	s6 =	sadd.s32 s7, s19  }
0x9f: {  	s10 =	simm.s32 $0x0;
	s20 =	sshll.u32 s8, $0x1;
	s8 =	sadd.s32 s21, s6  }
0xa0: {  	[timem:s10], [sflag:s22] =	dma.local [hbm:s8], s20  }
0xa1: {  	_ =	swait.ge [sflag:s22], s20  }
0xa2: {  	s7 =	ssub.s32 $0x0, s20;
	[sflag:s22] =	ssyncset.done $0x0  }
0xa3: {  	[sflag:s22] =	ssyncadd.s32 s7;
	_ =	sdelay $0x1  }
0xa4: {  	s23 =	simm.s32 $0x1B8B  }
0xa5: {  	_ =	swait.ge [sflag:s23], $0x1  }
0xa6: {  	[sflag:s23] =	ssyncset.done $0x0  }
0xa7: {  	s25 =	simm.s32 $0x1B8E;
	s24 =	sld [smem:$0x3FFE];
	[sflag:s23] =	ssyncadd.s32 $0xFFFFFFFF  }
0xa8: {  	s26 =	simm.s32 $execute0_lowered;
	[smem:$0x3FD2] =	sst s25  }
0xa9: {  	s8 =	sshll.u32 s26, $0x1;
	_ =	strace $0x80000046;
	[dreg:$0x1] =	wrdreg $0xFFFFFFFF  }
0xaa: {  	s28 =	simm.s32 $_size_execute0_lowered;
	s6 =	sadd.s32 s6, s8;
	[dreg:$0x0] =	wrdreg $0x0  }
0xab: {  	s8 =	sshll.u32 s28, $0x1;
	[dreg:$0x2] =	wrdreg s6  }
0xac: {  	[dreg:$0x3] =	wrdreg s8  }
0xad: {  	[dreg:$0x4] =	wrdreg $0xC0  }
0xae: {  	_ =	task [dreg:s10], $0x5FFFF  }
0xaf: {  	[dreg:$0x1] =	wrdreg $0xFFFFFFFF  }
0xb0: {  	[dreg:$0x0] =	wrdreg $0x60  }
0xb1: {  	[dreg:$0x2] =	wrdreg s24  }
0xb2: {  	[dreg:$0x3] =	wrdreg s5  }
0xb3: {  	[dreg:$0x4] =	wrdreg s2  }
0xb4: {  	[dreg:$0x5] =	wrdreg s18  }
0xb5: {  	[dreg:$0x6] =	wrdreg s4  }
0xb6: {  	[dreg:$0x7] =	wrdreg $0x9  }
0xb7: {  	_ =	task.clear_ibuf [dreg:s10], $0x8FFFF;
	_ =	strace $0x90000046  }
0xb8: {  	s29 =	simm.s32 $0x9;
	_ =	strace $0x80000048  }
0xb9: {  	_ =	swait.ge [sflag:s29], $0x1  }
0xba: {  	[sflag:s29] =	ssyncadd.s32 $0xFFFFFFFF  }
0xbb: {  	_ =	strace $0x90000048  }
0xbc: {  	_ =	sfence  }
0xbd: {  	s30 =	sld [smem:$0x0];
	_ =	sdelay $0x2  }
0xbe: {  	s31 =	sshll.u32 s1, $0xD;
	s1 =	sshrl.u32 s1, $0x2  }
0xbf: {  	s3 =	sand.u32 $0x4000, s31;
	s1 =	sadd.s32 s1, s30  }
0xc0: {  	s0 =	sor.u32 s3, s0;
	s1 =	sshll.u32 s1, $0x11  }
0xc1: {  	s0 =	sor.u32 s1, s0  }
0xc2: {  	s0 =	sadd.s32 $0x8F2B, s0  }
0xc3: {  	[sflag:s0] =	ssyncadd.remote.s32 $0x1  }
0xc4: {  	_ =	sfence.sel $0xFFFF  }
0xc5: {  	[dreg:$0x0] =	wrdreg $0xFFFFFFFF;
	(pc) =	sbr.abs _section_cstart, $3  }
0xc6: {  	[dreg:$0x1] =	wrdreg $0xFFFFFFFF  }
0xc7: {  	_ =	task.clear_ibuf [dreg:s10], $0x2FFFF;
	_ =	strace $0x9FFFFFFF  }
0xc8: {  	(tm) =	ssettm $0x7FFFFFFF  }
0xc9: {  	_ =	shalt  }
tec
execute0_lowered:
.L_overlay_start_1:
0x0: {  	(tag) =	ssettag $0x1  }
0x1: {  	s20 =	rddreg [dreg:$0x0]  }
0x2: {  	s1 =	rddreg [dreg:$0x1]  }
0x3: {  	s4 =	rddreg [dreg:$0x2];
	s2 =	srdreg.scid  }
0x4: {  	s6 =	rddreg [dreg:$0x3];
	s0 =	stileid.u32;
	s24 =	sand.u32 $0x1, s2  }
0x5: {  	s8 =	rddreg [dreg:$0x4];
	s5 =	sshll.u32 s0, $0x5;
	s7 =	sshll.u32 s24, $0x4  }
0x6: {  	s3 =	simm.s32 $0x0;
	s2 =	rddreg [dreg:$0x5];
	s21 =	sor.u32 s7, s5  }
0x7: {  	[smem:$0x7FF] =	sst s3;
	s9 =	sshrl.u32 s21, $0x3  }
0x8: {  	_ =	strace $0x80000047;
	s5 =	sadd.s32 s4, s9;
	s4 =	simm.s32 $0x2  }
0x9: {  	[tilespmem:s3], [sflag:$0x2] =	stream.linear.gather [hbm4b:s5+s3], $0x10, $0x38;
	[tilespmem:$0x1830] =	vst v63  }
0xa: {  	_ =	swait.ge [sflag:s4], $0x10  }
0xb: {  	[sflag:s4] =	ssyncset.done $0x0  }
0xc: {  	s7 =	simm.s32 $0x10;
	s6 =	sadd.s32 s6, s9;
	[sflag:s4] =	ssyncadd.s32 $0xFFFFFFF0  }
0xd: {  	[tilespmem:s7], [sflag:$0x2] =	stream.linear.gather [hbm4b:s6+s3], $0x10, $0x38;
	[tilespmem:$0x1830] =	vst v63  }
0xe: {  	_ =	swait.ge [sflag:s4], $0x10  }
0xf: {  	[sflag:s4] =	ssyncset.done $0x0  }
0x10: {  	s8 =	sadd.s32 s8, s9;
	s9 =	simm.s32 $0x20;
	[sflag:s4] =	ssyncadd.s32 $0xFFFFFFF0  }
0x11: {  	[tilespmem:s9], [sflag:$0x2] =	stream.linear.gather [hbm4b:s8+s3], $0x10, $0x38;
	[tilespmem:$0x1830] =	vst v63  }
0x12: {  	_ =	swait.ge [sflag:s4], $0x10  }
0x13: {  	[sflag:s4] =	ssyncset.done $0x0  }
0x14: {  	s11 =	simm.s32 $0x30;
	s10 =	sadd.s32 $0x24C800, s20;
	[sflag:s4] =	ssyncadd.s32 $0xFFFFFFF0  }
0x15: {  	[tilespmem:s11], [sflag:$0x1] =	stream.indirect.gather [hbm4b:s10+s7], $0x40, s3, s7, $0xb8;
	[tilespmem:$0x1830] =	vst v63  }
0x16: {  	s12 =	simm.s32 $0x430  }
0x17: {  	[tilespmem:s12], [sflag:$0x1] =	stream.indirect.gather [hbm4b:s1+s7], $0x40, s7, s7, $0xb8;
	[tilespmem:$0x1830] =	vst v63  }
0x18: {  	s13 =	simm.s32 $0x830  }
0x19: {  	[tilespmem:s13], [sflag:$0x1] =	stream.indirect.gather [hbm4b:s10+s7], $0x40, s9, s7, $0xb8;
	[tilespmem:$0x1830] =	vst v63  }
0x1a: {  	s15 =	simm.s32 $0xC30;
	s14 =	sadd.s32 $0x189200, s20  }
0x1b: {  	[tilespmem:s15], [sflag:$0x1] =	stream.indirect.gather [hbm4b:s14+s7], $0x40, s3, s7, $0xb8;
	[tilespmem:$0x1830] =	vst v63  }
0x1c: {  	s17 =	simm.s32 $0x1030;
	s16 =	sadd.s32 $0x2800, s20  }
0x1d: {  	[tilespmem:s17], [sflag:$0x1] =	stream.indirect.gather [hbm4b:s16+s7], $0x40, s7, s7, $0xb8;
	[tilespmem:$0x1830] =	vst v63  }
0x1e: {  	s18 =	simm.s32 $0x1430;
	s19 =	simm.s32 $0x1  }
0x1f: {  	[tilespmem:s18], [sflag:$0x1] =	stream.indirect.gather [hbm4b:s14+s7], $0x40, s9, s7, $0xb8;
	[tilespmem:$0x1830] =	vst v63  }
0x20: {  	_ =	swait.ge [sflag:s19], $0x400  }
0x21: {  	[sflag:s19] =	ssyncset.done $0x0  }
0x22: {  	[sflag:s19] =	ssyncadd.s32 $0xFFFFFC00  }
0x23: {  	_ =	swait.ge [sflag:s19], $0x400  }
0x24: {  	[sflag:s19] =	ssyncset.done $0x0  }
0x25: {  	[sflag:s19] =	ssyncadd.s32 $0xFFFFFC00  }
0x26: {  	_ =	swait.ge [sflag:s19], $0x400  }
0x27: {  	[sflag:s19] =	ssyncset.done $0x0  }
0x28: {  	[sflag:s19] =	ssyncadd.s32 $0xFFFFFC00  }
0x29: {  	_ =	swait.ge [sflag:s19], $0x400  }
0x2a: {  	[sflag:s19] =	ssyncset.done $0x0  }
0x2b: {  	[sflag:s19] =	ssyncadd.s32 $0xFFFFFC00  }
0x2c: {  	_ =	swait.ge [sflag:s19], $0x400  }
0x2d: {  	[sflag:s19] =	ssyncset.done $0x0  }
0x2e: {  	[sflag:s19] =	ssyncadd.s32 $0xFFFFFC00  }
0x2f: {  	s21 =	sshll.u32 s21, $0x3;
	_ =	swait.ge [sflag:s19], $0x400  }
0x30: {  	s25 =	sadd.s32 s21, s20;
	[sflag:s19] =	ssyncset.done $0x0  }
0x31: {  	s20 =	sadd.s32 $0x9800, s25;
	[sflag:s19] =	ssyncadd.s32 $0xFFFFFC00  }
0x32: {  	[hbm4b:s20+s3] =	stream.linear.scatter [tilespmem:s11], [sflag:$0x2], $0x400, $0x38;
	[tilespmem:$0x1830] =	vst v63  }
0x33: {  	_ =	swait.ge [sflag:s4], $0x400  }
0x34: {  	[sflag:s4] =	ssyncset.done $0x0  }
0x35: {  	s21 =	sadd.s32 $0x8800, s25;
	[sflag:s4] =	ssyncadd.s32 $0xFFFFFC00  }
0x36: {  	[hbm4b:s21+s3] =	stream.linear.scatter [tilespmem:s12], [sflag:$0x2], $0x400, $0x38;
	[tilespmem:$0x1830] =	vst v63  }
0x37: {  	_ =	swait.ge [sflag:s4], $0x400  }
0x38: {  	[sflag:s4] =	ssyncset.done $0x0  }
0x39: {  	s22 =	sadd.s32 $0x7800, s25;
	[sflag:s4] =	ssyncadd.s32 $0xFFFFFC00  }
0x3a: {  	[hbm4b:s22+s3] =	stream.linear.scatter [tilespmem:s13], [sflag:$0x2], $0x400, $0x38;
	[tilespmem:$0x1830] =	vst v63  }
0x3b: {  	_ =	swait.ge [sflag:s4], $0x400  }
0x3c: {  	[sflag:s4] =	ssyncset.done $0x0  }
0x3d: {  	s26 =	ssub.s32 $0x2, s24;
	s23 =	sadd.s32 $0x6800, s25;
	[sflag:s4] =	ssyncadd.s32 $0xFFFFFC00  }
0x3e: {  	[hbm4b:s23+s3] =	stream.linear.scatter [tilespmem:s15], [sflag:$0x2], $0x400, $0x38;
	[tilespmem:$0x1830] =	vst v63  }
0x3f: {  	s28 =	sshrl.u32 s26, $0x1;
	_ =	swait.ge [sflag:s4], $0x400  }
0x40: {  	s26 =	ssub.s32 s26, s28;
	[sflag:s4] =	ssyncset.done $0x0  }
0x41: {  	s26 =	smax.u32 s26, $0x1;
	s24 =	sadd.s32 $0x5800, s25;
	[sflag:s4] =	ssyncadd.s32 $0xFFFFFC00  }
0x42: {  	[hbm4b:s24+s3] =	stream.linear.scatter [tilespmem:s17], [sflag:$0x2], $0x400, $0x38;
	[tilespmem:$0x1830] =	vst v63  }
0x43: {  	p0 =	sne.s32 s26, $0x1;
	_ =	swait.ge [sflag:s4], $0x400  }
.Ltmp0:
0x44: {  	[sflag:s4] =	ssyncset.done $0x0;
	(pc) =	sbr.rel @!p0 .LBB2_2-.Ltmp0, $4  }
0x45: {  	s25 =	sadd.s32 $0x4800, s25;
	[sflag:s4] =	ssyncadd.s32 $0xFFFFFC00  }
0x46: {  	[hbm4b:s25+s3] =	stream.linear.scatter [tilespmem:s18], [sflag:$0x2], $0x400, $0x38;
	[tilespmem:$0x1830] =	vst v63  }
0x47: {  	_ =	swait.ge [sflag:s4], $0x400  }
0x48: {  	s26 =	sadd.s32 $0xFFFFFFFF, s26;
	[sflag:s4] =	ssyncset.done $0x0  }
.LBB2_1:
0x49: {  	p0 =	sne.s32 s26, $0x1;
	s26 =	sadd.s32 $0xFFFFFFFF, s26;
	[sflag:s4] =	ssyncadd.s32 $0xFFFFFC00  }
0x4a: {  	[tilespmem:s3], [sflag:$0x2] =	stream.linear.gather [hbm4b:s5+s3], $0x10, $0x38;
	[tilespmem:$0x1830] =	vst v63  }
0x4b: {  	_ =	swait.ge [sflag:s4], $0x10  }
0x4c: {  	[sflag:s4] =	ssyncset.done $0x0  }
0x4d: {  	[sflag:s4] =	ssyncadd.s32 $0xFFFFFFF0  }
0x4e: {  	[tilespmem:s7], [sflag:$0x2] =	stream.linear.gather [hbm4b:s6+s3], $0x10, $0x38;
	[tilespmem:$0x1830] =	vst v63  }
0x4f: {  	_ =	swait.ge [sflag:s4], $0x10  }
0x50: {  	[sflag:s4] =	ssyncset.done $0x0  }
0x51: {  	[sflag:s4] =	ssyncadd.s32 $0xFFFFFFF0  }
0x52: {  	[tilespmem:s9], [sflag:$0x2] =	stream.linear.gather [hbm4b:s8+s3], $0x10, $0x38;
	[tilespmem:$0x1830] =	vst v63  }
0x53: {  	_ =	swait.ge [sflag:s4], $0x10  }
0x54: {  	[sflag:s4] =	ssyncset.done $0x0  }
0x55: {  	[sflag:s4] =	ssyncadd.s32 $0xFFFFFFF0  }
0x56: {  	[tilespmem:s11], [sflag:$0x1] =	stream.indirect.gather [hbm4b:s10+s7], $0x40, s3, s7, $0xb8;
	[tilespmem:$0x1830] =	vst v63  }
0x57: {  	_ = 	snop  }
0x58: {  	[tilespmem:s12], [sflag:$0x1] =	stream.indirect.gather [hbm4b:s1+s7], $0x40, s7, s7, $0xb8;
	[tilespmem:$0x1830] =	vst v63  }
0x59: {  	_ = 	snop  }
0x5a: {  	[tilespmem:s13], [sflag:$0x1] =	stream.indirect.gather [hbm4b:s10+s7], $0x40, s9, s7, $0xb8;
	[tilespmem:$0x1830] =	vst v63  }
0x5b: {  	_ = 	snop  }
0x5c: {  	[tilespmem:s15], [sflag:$0x1] =	stream.indirect.gather [hbm4b:s14+s7], $0x40, s3, s7, $0xb8;
	[tilespmem:$0x1830] =	vst v63  }
0x5d: {  	_ = 	snop  }
0x5e: {  	[tilespmem:s17], [sflag:$0x1] =	stream.indirect.gather [hbm4b:s16+s7], $0x40, s7, s7, $0xb8;
	[tilespmem:$0x1830] =	vst v63  }
0x5f: {  	_ = 	snop  }
0x60: {  	[tilespmem:s18], [sflag:$0x1] =	stream.indirect.gather [hbm4b:s14+s7], $0x40, s9, s7, $0xb8;
	[tilespmem:$0x1830] =	vst v63  }
0x61: {  	_ =	swait.ge [sflag:s19], $0x400  }
0x62: {  	[sflag:s19] =	ssyncset.done $0x0  }
0x63: {  	[sflag:s19] =	ssyncadd.s32 $0xFFFFFC00  }
0x64: {  	_ =	swait.ge [sflag:s19], $0x400  }
0x65: {  	[sflag:s19] =	ssyncset.done $0x0  }
0x66: {  	[sflag:s19] =	ssyncadd.s32 $0xFFFFFC00  }
0x67: {  	_ =	swait.ge [sflag:s19], $0x400  }
0x68: {  	[sflag:s19] =	ssyncset.done $0x0  }
0x69: {  	[sflag:s19] =	ssyncadd.s32 $0xFFFFFC00  }
0x6a: {  	_ =	swait.ge [sflag:s19], $0x400  }
0x6b: {  	[sflag:s19] =	ssyncset.done $0x0  }
0x6c: {  	[sflag:s19] =	ssyncadd.s32 $0xFFFFFC00  }
0x6d: {  	_ =	swait.ge [sflag:s19], $0x400  }
0x6e: {  	[sflag:s19] =	ssyncset.done $0x0  }
0x6f: {  	[sflag:s19] =	ssyncadd.s32 $0xFFFFFC00  }
0x70: {  	_ =	swait.ge [sflag:s19], $0x400  }
0x71: {  	[sflag:s19] =	ssyncset.done $0x0  }
0x72: {  	[sflag:s19] =	ssyncadd.s32 $0xFFFFFC00  }
0x73: {  	[hbm4b:s20+s3] =	stream.linear.scatter [tilespmem:s11], [sflag:$0x2], $0x400, $0x38;
	[tilespmem:$0x1830] =	vst v63  }
0x74: {  	_ =	swait.ge [sflag:s4], $0x400  }
0x75: {  	[sflag:s4] =	ssyncset.done $0x0  }
0x76: {  	[sflag:s4] =	ssyncadd.s32 $0xFFFFFC00  }
0x77: {  	[hbm4b:s21+s3] =	stream.linear.scatter [tilespmem:s12], [sflag:$0x2], $0x400, $0x38;
	[tilespmem:$0x1830] =	vst v63  }
0x78: {  	_ =	swait.ge [sflag:s4], $0x400  }
0x79: {  	[sflag:s4] =	ssyncset.done $0x0  }
0x7a: {  	[sflag:s4] =	ssyncadd.s32 $0xFFFFFC00  }
0x7b: {  	[hbm4b:s22+s3] =	stream.linear.scatter [tilespmem:s13], [sflag:$0x2], $0x400, $0x38;
	[tilespmem:$0x1830] =	vst v63  }
0x7c: {  	_ =	swait.ge [sflag:s4], $0x400  }
0x7d: {  	[sflag:s4] =	ssyncset.done $0x0  }
0x7e: {  	[sflag:s4] =	ssyncadd.s32 $0xFFFFFC00  }
0x7f: {  	[hbm4b:s23+s3] =	stream.linear.scatter [tilespmem:s15], [sflag:$0x2], $0x400, $0x38;
	[tilespmem:$0x1830] =	vst v63  }
0x80: {  	_ =	swait.ge [sflag:s4], $0x400  }
0x81: {  	[sflag:s4] =	ssyncset.done $0x0  }
0x82: {  	[sflag:s4] =	ssyncadd.s32 $0xFFFFFC00  }
0x83: {  	[hbm4b:s24+s3] =	stream.linear.scatter [tilespmem:s17], [sflag:$0x2], $0x400, $0x38;
	[tilespmem:$0x1830] =	vst v63  }
0x84: {  	_ =	swait.ge [sflag:s4], $0x400  }
.Ltmp1:
0x85: {  	[sflag:s4] =	ssyncset.done $0x0;
	(pc) =	sbr.rel @p0 .LBB2_1-.Ltmp1, $4  }
0x86: {  	[sflag:s4] =	ssyncadd.s32 $0xFFFFFC00  }
0x87: {  	[hbm4b:s25+s3] =	stream.linear.scatter [tilespmem:s18], [sflag:$0x2], $0x400, $0x38;
	[tilespmem:$0x1830] =	vst v63  }
0x88: {  	_ =	swait.ge [sflag:s4], $0x400  }
0x89: {  	[sflag:s4] =	ssyncset.done $0x0  }
.LBB2_2:
0x8a: {  	[sflag:s4] =	ssyncadd.s32 $0xFFFFFC00  }
0x8b: {  	_ =	sfence.sel $0x180000  }
0x8c: {  	[bflag:$0x0] =	sbarrier.arrive $0xFFFF  }
0x8d: {  	p0 =	sne.s32 s0, $0x0;
	_ =	strace $0x90000047  }
0x8e: {  	s0 =	sadd.s32 @!p0 $0x100000, s2;
	[bflag:$0x2] =	sbarrier.arrive $0xFFFF  }
0x8f: {  	[sflag:s0] =	ssyncadd.tile.s32 @!p0 $0x1;
	_ =	shalt  }
.Lfunc_end2:
_tile_overlayer_lowered:
.L_overlay_start_2:
0x90: {  	(tag) =	ssettag $0x2  }
0x91: {  	s0 =	rddreg [dreg:$0x0];
	s2 =	stileid.u32  }
0x92: {  	s1 =	rddreg [dreg:$0x1];
	p0 =	sne.s32 s2, $0x0  }
0x93: {  	s3 =	rddreg [dreg:$0x2];
	[bflag:$0x3] =	sbarrier.arrive $0xFFFF;
	s2 =	simm.s32 @!p0 $0x1C02  }
0x94: {  	[timem:s3], [sflag:s2] =	dma.local @!p0 [hbm:s0], s1  }
0x95: {  	s0 =	simm.s32 @!p0 $0x2  }
0x96: {  	_ =	swait.ge @!p0 [sflag:s0], s1  }
0x97: {  	s1 =	ssub.s32 @!p0 $0x0, s1;
	[sflag:s0] =	ssyncset.done @!p0 $0x0  }
0x98: {  	[sflag:s0] =	ssyncadd.s32 @!p0 s1  }
0x99: {  	[bflag:$0x3] =	sbarrier.arrive $0xFFFF  }
0x9a: {  	_ =	shalt  }

</sc_bundles>
